<compile_context>
chip_gen: v7x
topology: tpu7x:2x2x1
jax: 0.10.2.dev20260603
libtpu: 0.0.44.dev20260713+nightly
codegen_flags: <defaults>
</compile_context>

<pallas_src>
import jax
import jax.numpy as jnp
from jax import lax
from jax.experimental import pallas as pl
from jax.experimental.pallas import tpu as pltpu
from jax.experimental.pallas import tpu_sc as plsc

CTX_DIM = 512
CONTEXT_LEN = 77
N_CTX = 16
N_TOK = CONTEXT_LEN - N_CTX
N_WORK = 4


def _sc_body(tok_hbm, table_hbm, ctx_hbm, out_hbm, tokv, gv, cv, sem):
    wid = lax.axis_index("s")

    @pl.when(wid < N_WORK)
    def _():
        pltpu.sync_copy(tok_hbm, tokv)
        slot = lax.iota(jnp.int32, 16) + 16 * wid
        row = jnp.where(slot == 0, 0,
                        jnp.minimum(slot + N_CTX, CONTEXT_LEN - 1))
        col = jnp.minimum(slot, N_TOK - 1)
        src = plsc.load_gather(tokv, [jnp.zeros((16,), jnp.int32), col])
        pltpu.async_copy(table_hbm.at[src], gv, sem).wait()
        pltpu.async_copy(gv, out_hbm.at[row], sem).wait()

    @pl.when(wid == N_WORK)
    def _():
        pltpu.sync_copy(ctx_hbm, cv)
        cidx = lax.iota(jnp.int32, 16) + 1
        pltpu.async_copy(cv, out_hbm.at[cidx], sem).wait()


@jax.jit
def _sc_call(tok, token_embedding, ctx):
    mesh = plsc.VectorSubcoreMesh(
        core_axis_name="c", subcore_axis_name="s", num_cores=1)
    return pl.kernel(
        _sc_body,
        out_type=jax.ShapeDtypeStruct((CONTEXT_LEN, CTX_DIM), jnp.float32),
        mesh=mesh,
        scratch_types=[
            pltpu.VMEM((1, CONTEXT_LEN), jnp.int32),
            pltpu.VMEM((16, CTX_DIM), jnp.float32),
            pltpu.VMEM((N_CTX, CTX_DIM), jnp.float32),
            pltpu.SemaphoreType.DMA,
        ],
        compiler_params=pltpu.CompilerParams(needs_layout_passes=False),
    )(tok, token_embedding, ctx)


def kernel(tokenized_prompts, token_embedding, ctx):
    return _sc_call(tokenized_prompts.astype(jnp.int32), token_embedding, ctx)

# --- scband reference (transcript-rebuilt; emitter-appended) ---
"""Pipeline reference for scband-prompt-learner-6820408066720 (READ-ONLY COPY).

The authoritative reference and input builder live on the scoring server;
editing this copy changes nothing except your own understanding.
"""

import jax, jax.numpy as jnp
import numpy as np

VOCAB = 49408
CTX_DIM = 512
N_CTX = 16
CONTEXT_LEN = 77
N_CLS = 1


def setup_inputs(seed: int = 0) -> dict:
    key = jax.random.key(seed)
    k1, k2, k3 = jax.random.split(key, 3)
    # Proxy for clip.tokenize(classname, context_length): token ids in [0, vocab)
    tokenized_prompts = jax.random.randint(k1, (N_CLS, CONTEXT_LEN), 0, VOCAB, dtype=jnp.int32)
    # clip_model.token_embedding weight
    token_embedding = jax.random.normal(k2, (VOCAB, CTX_DIM), dtype=jnp.float32) * 0.02
    # learned context vectors (nn.init.normal_(std=0.02))
    ctx = jax.random.normal(k3, (N_CTX, CTX_DIM), dtype=jnp.float32) * 0.02
    return {"tokenized_prompts": tokenized_prompts, "token_embedding": token_embedding, "ctx": ctx}


def reference(tokenized_prompts, token_embedding, ctx):
    # embedding = clip_model.token_embedding(tokenized_prompts)  [n_cls, L, d]
    embedding = jnp.take(token_embedding, tokenized_prompts, axis=0)
    # class_token_position == 'end' branch with n_cls == 1
    prefix = embedding[:, :1, :].squeeze(0)            # [1, d]  (SOS)
    suffix = embedding[:, 1:-N_CTX, :].squeeze(0)      # [L-1-n_ctx, d] (class tokens, EOS, pad)
    prompts = jnp.concatenate([prefix, ctx, suffix], axis=0)  # [L, d]
    return prompts

if __name__ == "__main__":
    import jax
    _d = setup_inputs()
    print(jax.jit(kernel)(*tuple(_d.values())))

</pallas_src>

<mosaic_0001>
#map = affine_map<(d0, d1) -> (0, 0)>
module attributes {stable_mosaic.version = 14 : i64} {
  func.func @_sc_body(%arg0: i32, %arg1: i32, %arg2: memref<1x77xi32, #tpu.memory_space<hbm>>, %arg3: memref<49408x512xf32, #tpu.memory_space<hbm>>, %arg4: memref<16x512xf32, #tpu.memory_space<hbm>>, %arg5: memref<77x512xf32, #tpu.memory_space<hbm>>, %arg6: memref<1x77xi32, #tpu.memory_space<vmem>>, %arg7: memref<16x512xf32, #tpu.memory_space<vmem>>, %arg8: memref<16x512xf32, #tpu.memory_space<vmem>>, %arg9: memref<!tpu.dma_semaphore, #tpu.memory_space<semaphore_mem>>) attributes {dimension_semantics = [#tpu.dimension_semantics<core_parallel>, #tpu.dimension_semantics<subcore_parallel>], iteration_bounds = array<i64: 1, 16>, scalar_prefetch = 0 : i64, scratch_operands = 4 : i64, tpu.core_type = #tpu.core_type<sc_vector_subcore>, window_params = [{transform_indices = #map}, {transform_indices = #map}, {transform_indices = #map}, {transform_indices = #map}]} {
    %lt3A = arith.constant 4 : i32
    %lt3A_0 = arith.cmpi slt, %arg1, %lt3A : i32
    %convert_element_type3A = arith.extui %lt3A_0 : i1 to i32
    %cond3A = arith.constant 0 : i32
    %cond3A_1 = arith.cmpi ne, %convert_element_type3A, %cond3A : i32
    scf.if %cond3A_1 {
      "tpu.region"() ({
        %run_scoped3A = tpu.sem_alloc : memref<!tpu.dma_semaphore, #tpu.memory_space<semaphore_mem>>
        tpu.enqueue_dma source(%arg2 : memref<1x77xi32, #tpu.memory_space<hbm>>) target(%arg6 : memref<1x77xi32, #tpu.memory_space<vmem>>) target_semaphore(%run_scoped3A : memref<!tpu.dma_semaphore, #tpu.memory_space<semaphore_mem>>)
        tpu.wait_dma2 semaphore(%run_scoped3A : memref<!tpu.dma_semaphore, #tpu.memory_space<semaphore_mem>>) src(%arg2 : memref<1x77xi32, #tpu.memory_space<hbm>>) dst(%arg6 : memref<1x77xi32, #tpu.memory_space<vmem>>)
        tpu.yield
      }) : () -> ()
      %iota3A = tpu.iota {dimensions = array<i32: 0>} : vector<16xi32>
      %mul3A = arith.constant 16 : i32
      %mul3A_6 = arith.muli %mul3A, %arg1 : i32
      %add3A = vector.broadcast %mul3A_6 : i32 to vector<16xi32>
      %add3A_7 = arith.addi %iota3A, %add3A : vector<16xi32>
      %eq3A_8 = arith.constant 0 : i32
      %eq3A_9 = vector.broadcast %eq3A_8 : i32 to vector<16xi32>
      %eq3A_10 = arith.cmpi eq, %add3A_7, %eq3A_9 : vector<16xi32>
      %add3A_11 = arith.constant 16 : i32
      %add3A_12 = vector.broadcast %add3A_11 : i32 to vector<16xi32>
      %add3A_13 = arith.addi %add3A_7, %add3A_12 : vector<16xi32>
      %min3A = arith.constant 76 : i32
      %min3A_14 = vector.broadcast %min3A : i32 to vector<16xi32>
      %min3A_15 = arith.minsi %add3A_13, %min3A_14 : vector<16xi32>
      %jit3A = arith.constant 0 : i32
      %broadcast_in_dim3A = vector.broadcast %jit3A : i32 to vector<16xi32>
      %select_n3A = arith.select %eq3A_10, %broadcast_in_dim3A, %min3A_15 : vector<16xi1>, vector<16xi32>
      %min3A_16 = arith.constant 60 : i32
      %min3A_17 = vector.broadcast %min3A_16 : i32 to vector<16xi32>
      %min3A_18 = arith.minsi %add3A_7, %min3A_17 : vector<16xi32>
      %broadcast_in_dim3A_19 = arith.constant 0 : i32
      %broadcast_in_dim3A_20 = vector.broadcast %broadcast_in_dim3A_19 : i32 to vector<16xi32>
      %gather3A = tpu.vector_load_idx %arg6[%broadcast_in_dim3A_20, %min3A_18] : memref<1x77xi32, #tpu.memory_space<vmem>>[vector<16xi32>, vector<16xi32>], vector<16xi32>,
      %dma_start3A = arith.constant 0 : i32
      %dma_start3A_21 = arith.constant 0 : i32
      %dma_start3A_22 = tpu.memref_slice %arg3[%dma_start3A, %dma_start3A_21] : memref<49408x512xf32, #tpu.memory_space<hbm>> -> memref<49408x512xf32, #tpu.memory_space<hbm>>
      tpu.enqueue_indirect_dma source(%dma_start3A_22 : memref<49408x512xf32, #tpu.memory_space<hbm>>) target(%arg7 : memref<16x512xf32, #tpu.memory_space<vmem>>) offsets(%gather3A : vector<16xi32>) semaphore(%arg9 : memref<!tpu.dma_semaphore, #tpu.memory_space<semaphore_mem>>)
      %dma_wait3A = arith.constant 0 : i32
      %dma_wait3A_23 = arith.constant 0 : i32
      %dma_wait3A_24 = tpu.memref_slice %arg3[%dma_wait3A, %dma_wait3A_23] : memref<49408x512xf32, #tpu.memory_space<hbm>> -> memref<49408x512xf32, #tpu.memory_space<hbm>>
      tpu.wait_indirect_dma semaphore(%arg9 : memref<!tpu.dma_semaphore, #tpu.memory_space<semaphore_mem>>) src(%dma_wait3A_24 : memref<49408x512xf32, #tpu.memory_space<hbm>>) dst(%arg7 : memref<16x512xf32, #tpu.memory_space<vmem>>)
      %dma_start3A_25 = arith.constant 0 : i32
      %dma_start3A_26 = arith.constant 0 : i32
      %dma_start3A_27 = tpu.memref_slice %arg5[%dma_start3A_25, %dma_start3A_26] : memref<77x512xf32, #tpu.memory_space<hbm>> -> memref<77x512xf32, #tpu.memory_space<hbm>>
      tpu.enqueue_indirect_dma source(%arg7 : memref<16x512xf32, #tpu.memory_space<vmem>>) target(%dma_start3A_27 : memref<77x512xf32, #tpu.memory_space<hbm>>) offsets(%select_n3A : vector<16xi32>) semaphore(%arg9 : memref<!tpu.dma_semaphore, #tpu.memory_space<semaphore_mem>>)
      %dma_wait3A_28 = arith.constant 0 : i32
      %dma_wait3A_29 = arith.constant 0 : i32
      %dma_wait3A_30 = tpu.memref_slice %arg5[%dma_wait3A_28, %dma_wait3A_29] : memref<77x512xf32, #tpu.memory_space<hbm>> -> memref<77x512xf32, #tpu.memory_space<hbm>>
      tpu.wait_indirect_dma semaphore(%arg9 : memref<!tpu.dma_semaphore, #tpu.memory_space<semaphore_mem>>) src(%arg7 : memref<16x512xf32, #tpu.memory_space<vmem>>) dst(%dma_wait3A_30 : memref<77x512xf32, #tpu.memory_space<hbm>>)
    } else {
    }
    %eq3A = arith.constant 4 : i32
    %eq3A_2 = arith.cmpi eq, %arg1, %eq3A : i32
    %convert_element_type3A_3 = arith.extui %eq3A_2 : i1 to i32
    %cond3A_4 = arith.constant 0 : i32
    %cond3A_5 = arith.cmpi ne, %convert_element_type3A_3, %cond3A_4 : i32
    scf.if %cond3A_5 {
      "tpu.region"() ({
        %run_scoped3A = tpu.sem_alloc : memref<!tpu.dma_semaphore, #tpu.memory_space<semaphore_mem>>
        tpu.enqueue_dma source(%arg4 : memref<16x512xf32, #tpu.memory_space<hbm>>) target(%arg8 : memref<16x512xf32, #tpu.memory_space<vmem>>) target_semaphore(%run_scoped3A : memref<!tpu.dma_semaphore, #tpu.memory_space<semaphore_mem>>)
        tpu.wait_dma2 semaphore(%run_scoped3A : memref<!tpu.dma_semaphore, #tpu.memory_space<semaphore_mem>>) src(%arg4 : memref<16x512xf32, #tpu.memory_space<hbm>>) dst(%arg8 : memref<16x512xf32, #tpu.memory_space<vmem>>)
        tpu.yield
      }) : () -> ()
      %iota3A = tpu.iota {dimensions = array<i32: 0>} : vector<16xi32>
      %add3A = arith.constant 1 : i32
      %add3A_6 = vector.broadcast %add3A : i32 to vector<16xi32>
      %add3A_7 = arith.addi %iota3A, %add3A_6 : vector<16xi32>
      %dma_start3A = arith.constant 0 : i32
      %dma_start3A_8 = arith.constant 0 : i32
      %dma_start3A_9 = tpu.memref_slice %arg5[%dma_start3A, %dma_start3A_8] : memref<77x512xf32, #tpu.memory_space<hbm>> -> memref<77x512xf32, #tpu.memory_space<hbm>>
      tpu.enqueue_indirect_dma source(%arg8 : memref<16x512xf32, #tpu.memory_space<vmem>>) target(%dma_start3A_9 : memref<77x512xf32, #tpu.memory_space<hbm>>) offsets(%add3A_7 : vector<16xi32>) semaphore(%arg9 : memref<!tpu.dma_semaphore, #tpu.memory_space<semaphore_mem>>)
      %dma_wait3A = arith.constant 0 : i32
      %dma_wait3A_10 = arith.constant 0 : i32
      %dma_wait3A_11 = tpu.memref_slice %arg5[%dma_wait3A, %dma_wait3A_10] : memref<77x512xf32, #tpu.memory_space<hbm>> -> memref<77x512xf32, #tpu.memory_space<hbm>>
      tpu.wait_indirect_dma semaphore(%arg9 : memref<!tpu.dma_semaphore, #tpu.memory_space<semaphore_mem>>) src(%arg8 : memref<16x512xf32, #tpu.memory_space<vmem>>) dst(%dma_wait3A_11 : memref<77x512xf32, #tpu.memory_space<hbm>>)
    } else {
    }
    return
  }
}

</mosaic_0001>

<sc_bundles>
// kernel: _sc_call.3.cloned.1.call-start
scs
__scs_entry_jumppad:
0x0: {  	(pc) =	sbr.rel $0x88, $3  }
0x1: {  	(tag) =	ssettag $0x0;
	lr =	simm.s32 $0x1  }
0x2: {  	[smem:$0x3F9E] =	sst lr;
	_ =	strace $0xD0000000  }
0x3: {  	_ = 	snop  }
0x4: {  	_ = 	snop  }
0x5: {  	_ = 	snop  }
0x6: {  	_ = 	snop  }
0x7: {  	_ = 	snop  }
__scs_overlays_trampoline_lowered:
0x8: {  	[smem:$0x3FAD] =	sst s0  }
0x9: {  	[smem:$0x3FAE] =	sst s1  }
0xa: {  	[smem:$0x3FAF] =	sst s2  }
0xb: {  	[smem:$0x3FB0] =	sst s3  }
0xc: {  	[smem:$0x3FB1] =	sst s4  }
0xd: {  	[smem:$0x3FB2] =	sst s5  }
0xe: {  	[smem:$0x3FB3] =	sst s6  }
0xf: {  	[smem:$0x3FB4] =	sst s7  }
0x10: {  	[smem:$0x3FB5] =	sst s8  }
0x11: {  	[smem:$0x3FB6] =	sst s9;
	s0 =	simm.s32 @!p0 $0x0  }
0x12: {  	s1 =	sld [smem:$0x3F9C];
	s0 =	simm.s32 @p0 $0x1  }
0x13: {  	[smem:$0x3FB7] =	sst s0;
	s0 =	simm.s32 @!p1 $0x0  }
0x14: {  	s2 =	sld [smem:$0x3F9B];
	s0 =	simm.s32 @p1 $0x1  }
0x15: {  	[smem:$0x3FB8] =	sst s0;
	s0 =	simm.s32 @!p2 $0x0  }
0x16: {  	s3 =	sld [smem:$0x3FDB];
	s0 =	simm.s32 @p2 $0x1  }
0x17: {  	s4 =	simm.s32 $0x1BF5;
	[smem:$0x3FBA] =	sst s0  }
0x18: {  	s0 =	sld [smem:$0x3F9D];
	_ =	swait.ge [sflag:s4], $0x0  }
0x19: {  	s7 =	sld [smem:$0x3F9E]  }
0x1a: {  	s8 =	sadd.s32 $0xFFFFE003, lr  }
0x1b: {  	s9 =	sadd.s32 $0xFFFFFEF7, lr;
	s5 =	simm.s32 $0xFFFFFFFF;
	p2 =	slt.u32 s8, $0xFFFFF086  }
0x1c: {  	p1 =	slt.u32 s9, $0xF7A;
	s5 =	simm.s32 @!p2 $0x0  }
0x1d: {  	s5 =	simm.s32 @p1 $0x1;
	p0 =	seq.s32 s7, s2  }
0x1e: {  	s7 =	smul.u32 @!p0 $0xF7A, s2;
	p2 =	seq.s32 @!p0 s5, $0x0  }
0x1f: {  	s9 =	smul.u32 $0xF7A, s1;
	s8 =	simm.s32 @!p0 $0x1BF5;
	p2 =	por !p2, p0  }
0x20: {  	[sflag:s8] =	ssyncset.s32 @!p0 $0xFFFFF086;
	s6 =	sadd.s32 @!p0 s3, s7;
	s7 =	simm.s32 @!p0 $0x108  }
0x21: {  	s3 =	sadd.s32 s3, s9;
	s6 =	sadd.s32 @!p0 $0x88, s6;
	s7 =	simm.s32 @p2 $0x1082  }
0x22: {  	[simem:s7], [sflag:s8] =	dma.local @!p0 [hbm:s6], $0xF7A  }
0x23: {  	s9 =	sor.u32 $0xD0000000, s2;
	s6 =	simm.s32 $0x108;
	_ =	swait.ge @!p0 [sflag:s8], $0x0  }
0x24: {  	s3 =	sadd.s32 $0x88, s3;
	s6 =	simm.s32 @!p1 $0x1082;
	[sflag:s4] =	ssyncset.s32 $0xFFFFF086  }
0x25: {  	[simem:s6], [sflag:s4] =	dma.local [hbm:s3], $0xF7A  }
0x26: {  	[smem:$0x3F9E] =	sst s1;
	(tag) =	ssettag s2;
	_ =	strace s9  }
0x27: {  	s1 =	sld [smem:$0x3FAE]  }
0x28: {  	s2 =	sld [smem:$0x3FAF]  }
0x29: {  	s4 =	sld [smem:$0x3FB1]  }
0x2a: {  	p0 =	seq.s32 s5, $0x0;
	s5 =	sld [smem:$0x3FB2]  }
0x2b: {  	s6 =	sld [smem:$0x3FB3]  }
0x2c: {  	s7 =	sld [smem:$0x3FB4]  }
0x2d: {  	s3 =	simm.s32 $0x108;
	s8 =	sld [smem:$0x3FB5]  }
0x2e: {  	s3 =	simm.s32 @!p0 $0x1082;
	s9 =	sld [smem:$0x3FB6]  }
0x2f: {  	lr =	sadd.s32 s0, s3;
	s0 =	sld [smem:$0x3FAD]  }
0x30: {  	s3 =	sld [smem:$0x3FB0]  }
0x31: {  	[smem:$0x3FB9] =	sst s10  }
0x32: {  	s10 =	sld [smem:$0x3FB7];
	_ =	sdelay $0x3  }
0x33: {  	p0 =	seq.s32 s10, $0x1;
	s10 =	sld [smem:$0x3FB9];
	_ =	sdelay $0x3  }
0x34: {  	[smem:$0x3FB9] =	sst s10  }
0x35: {  	s10 =	sld [smem:$0x3FB8];
	_ =	sdelay $0x3  }
0x36: {  	p1 =	seq.s32 s10, $0x1;
	s10 =	sld [smem:$0x3FB9];
	_ =	sdelay $0x3  }
0x37: {  	[smem:$0x3FB9] =	sst s10  }
0x38: {  	s10 =	sld [smem:$0x3FBA]  }
0x39: {  	_ = 	snop;
	(pc) =	sbr.ind lr, $3  }
0x3a: {  	_ = 	snop  }
0x3b: {  	_ = 	snop  }
0x3c: {  	p2 =	seq.s32 s10, $0x1;
	s10 =	sld [smem:$0x3FB9]  }
0x3d: {  	_ =	shalt  }
0x3e: {  	_ =	shalt  }
0x3f: {  	_ =	shalt  }
0x40: {  	_ =	shalt  }
0x41: {  	_ =	shalt  }
0x42: {  	_ =	shalt  }
0x43: {  	_ =	shalt  }
0x44: {  	_ =	shalt  }
0x45: {  	_ =	shalt  }
0x46: {  	_ =	shalt  }
0x47: {  	_ =	shalt  }
0x48: {  	_ =	shalt  }
0x49: {  	_ =	shalt  }
0x4a: {  	_ =	shalt  }
0x4b: {  	_ =	shalt  }
0x4c: {  	_ =	shalt  }
0x4d: {  	_ =	shalt  }
0x4e: {  	_ =	shalt  }
0x4f: {  	_ =	shalt  }
0x50: {  	_ =	shalt  }
0x51: {  	_ =	shalt  }
0x52: {  	_ =	shalt  }
0x53: {  	_ =	shalt  }
0x54: {  	_ =	shalt  }
0x55: {  	_ =	shalt  }
0x56: {  	_ =	shalt  }
0x57: {  	_ =	shalt  }
0x58: {  	_ =	shalt  }
0x59: {  	_ =	shalt  }
0x5a: {  	_ =	shalt  }
0x5b: {  	_ =	shalt  }
0x5c: {  	_ =	shalt  }
0x5d: {  	_ =	shalt  }
0x5e: {  	_ =	shalt  }
0x5f: {  	_ =	shalt  }
0x60: {  	_ =	shalt  }
0x61: {  	_ =	shalt  }
0x62: {  	_ =	shalt  }
0x63: {  	_ =	shalt  }
0x64: {  	_ =	shalt  }
0x65: {  	_ =	shalt  }
0x66: {  	_ =	shalt  }
0x67: {  	_ =	shalt  }
0x68: {  	_ =	shalt  }
0x69: {  	_ =	shalt  }
0x6a: {  	_ =	shalt  }
0x6b: {  	_ =	shalt  }
0x6c: {  	_ =	shalt  }
0x6d: {  	_ =	shalt  }
0x6e: {  	_ =	shalt  }
0x6f: {  	_ =	shalt  }
0x70: {  	_ =	shalt  }
0x71: {  	_ =	shalt  }
0x72: {  	_ =	shalt  }
0x73: {  	_ =	shalt  }
0x74: {  	_ =	shalt  }
0x75: {  	_ =	shalt  }
0x76: {  	_ =	shalt  }
0x77: {  	_ =	shalt  }
0x78: {  	_ =	shalt  }
0x79: {  	_ =	shalt  }
0x7a: {  	_ =	shalt  }
0x7b: {  	_ =	shalt  }
0x7c: {  	_ =	shalt  }
0x7d: {  	_ =	shalt  }
0x7e: {  	_ =	shalt  }
0x7f: {  	_ =	shalt  }
0x80: {  	_ =	shalt  }
0x81: {  	_ =	shalt  }
0x82: {  	_ =	shalt  }
0x83: {  	_ =	shalt  }
0x84: {  	_ =	shalt  }
0x85: {  	_ =	shalt  }
0x86: {  	_ =	shalt  }
0x87: {  	_ =	shalt  }
.Lfunc_end0:
.L_simem_size_0:
called_computation_lowered:
.L_overlay_start_0:
0x88: {  	s0 =	sld [smem:$0x3FD9]  }
0x89: {  	s1 =	sld [smem:$0x3FFE];
	_ =	sdelay $0x3  }
0x8a: {  	s0 =	sadd.s32 s1, s0  }
0x8b: {  	[smem:$0x3FC5] =	sst s0  }
0x8c: {  	_ = 	snop  }
0x8d: {  	s0 =	sld [smem:$0x3FC9]  }
0x8e: {  	s17 =	sld [smem:$0x3FC8]  }
0x8f: {  	s2 =	sld [smem:$0x3FC7]  }
0x90: {  	s3 =	sld [smem:$0x3FD0];
	(tm) =	ssettm $0x1  }
0x91: {  	s4 =	sld [smem:$0x3FFB];
	_ =	sdelay $0x3  }
0x92: {  	_ =	strace s4  }
0x93: {  	s4 =	sld [smem:$0x3FFC];
	_ =	sdelay $0x3  }
0x94: {  	_ =	strace s4  }
0x95: {  	s4 =	sld [smem:$0x3FFD];
	_ =	sdelay $0x3  }
0x96: {  	_ =	strace s4  }
0x97: {  	_ =	strace $0x8FFFFFFF  }
0x98: {  	s18 =	sld [smem:$0x3FDB];
	_ =	sdelay $0x1  }
0x99: {  	s5 =	simm.s32 $_scs_section_size  }
0x9a: {  	s6 =	simm.s32 $_size__tile_overlayer_lowered;
	s7 =	simm.s32 $_tile_overlayer_lowered  }
0x9b: {  	s21 =	simm.s32 $0x1BFF;
	s20 =	sshll.u32 s7, $0x1;
	s4 =	sadd.s32 s5, s18  }
0x9c: {  	s8 =	simm.s32 $0x0;
	s19 =	sshll.u32 s6, $0x1;
	s6 =	sadd.s32 s20, s4  }
0x9d: {  	[timem:s8], [sflag:s21] =	dma.local [hbm:s6], s19  }
0x9e: {  	_ =	swait.ge [sflag:s21], s19  }
0x9f: {  	s5 =	ssub.s32 $0x0, s19;
	[sflag:s21] =	ssyncset.done $0x0  }
0xa0: {  	[sflag:s21] =	ssyncadd.s32 s5;
	_ =	sdelay $0x1  }
0xa1: {  	s22 =	simm.s32 $0x1B8B  }
0xa2: {  	_ =	swait.ge [sflag:s22], $0x1  }
0xa3: {  	[sflag:s22] =	ssyncset.done $0x0  }
0xa4: {  	s23 =	simm.s32 $0x1B8E;
	[sflag:s22] =	ssyncadd.s32 $0xFFFFFFFF  }
0xa5: {  	s24 =	simm.s32 $execute0_lowered;
	[smem:$0x3FD2] =	sst s23  }
0xa6: {  	s5 =	sshll.u32 s24, $0x1;
	_ =	strace $0x80000046;
	[dreg:$0x1] =	wrdreg $0xFFFFFFFF  }
0xa7: {  	s25 =	simm.s32 $_size_execute0_lowered;
	s4 =	sadd.s32 s4, s5;
	[dreg:$0x0] =	wrdreg $0x0  }
0xa8: {  	s5 =	sshll.u32 s25, $0x1;
	[dreg:$0x2] =	wrdreg s4  }
0xa9: {  	[dreg:$0x3] =	wrdreg s5  }
0xaa: {  	[dreg:$0x4] =	wrdreg $0xC0  }
0xab: {  	_ =	task [dreg:s8], $0x5FFFF  }
0xac: {  	[dreg:$0x1] =	wrdreg $0xFFFFFFFF  }
0xad: {  	[dreg:$0x0] =	wrdreg $0x60  }
0xae: {  	[dreg:$0x2] =	wrdreg s0  }
0xaf: {  	[dreg:$0x3] =	wrdreg s17  }
0xb0: {  	[dreg:$0x4] =	wrdreg s2  }
0xb1: {  	[dreg:$0x5] =	wrdreg s3  }
0xb2: {  	[dreg:$0x6] =	wrdreg $0x9  }
0xb3: {  	_ =	task.clear_ibuf [dreg:s8], $0x7FFFF;
	_ =	strace $0x90000046  }
0xb4: {  	s26 =	simm.s32 $0x9;
	_ =	strace $0x80000048  }
0xb5: {  	_ =	swait.ge [sflag:s26], $0x1  }
0xb6: {  	[sflag:s26] =	ssyncadd.s32 $0xFFFFFFFF  }
0xb7: {  	_ =	strace $0x90000048  }
0xb8: {  	_ =	sfence  }
0xb9: {  	s28 =	sld [smem:$0x0];
	_ =	sdelay $0x1  }
0xba: {  	s29 =	srdreg.scid  }
0xbb: {  	s30 =	sshll.u32 s29, $0xD;
	s31 =	sshrl.u32 s29, $0x2  }
0xbc: {  	s1 =	sand.u32 $0x1, s29;
	s2 =	sand.u32 $0x4000, s30;
	s0 =	sadd.s32 s31, s28  }
0xbd: {  	s1 =	sor.u32 s2, s1;
	s0 =	sshll.u32 s0, $0x11  }
0xbe: {  	s0 =	sor.u32 s0, s1  }
0xbf: {  	s0 =	sadd.s32 $0x8F2B, s0  }
0xc0: {  	[sflag:s0] =	ssyncadd.remote.s32 $0x1  }
0xc1: {  	_ =	sfence.sel $0xFFFF  }
0xc2: {  	[dreg:$0x0] =	wrdreg $0xFFFFFFFF;
	(pc) =	sbr.abs _section_cstart, $3  }
0xc3: {  	[dreg:$0x1] =	wrdreg $0xFFFFFFFF  }
0xc4: {  	_ =	task.clear_ibuf [dreg:s8], $0x2FFFF;
	_ =	strace $0x9FFFFFFF  }
0xc5: {  	(tm) =	ssettm $0x7FFFFFFF  }
tec
execute0_lowered:
.L_overlay_start_1:
0x0: {  	(tag) =	ssettag $0x1  }
0x1: {  	s1 =	stileid.u32  }
0x2: {  	p0 =	sgt.u32 s1, $0x3  }
.Ltmp0:
0x3: {  	s3 =	rddreg [dreg:$0x0];
	(pc) =	sbr.rel @p0 .LBB2_2-.Ltmp0, $4  }
0x4: {  	s4 =	rddreg [dreg:$0x1]  }
0x5: {  	s5 =	rddreg [dreg:$0x2]  }
0x6: {  	s2 =	rddreg [dreg:$0x3]  }
0x7: {  	s0 =	rddreg [dreg:$0x4];
	_ =	strace $0x80000047  }
0x8: {  	s6 =	sshll.u32 s1, $0x4;
	v0 =	vlaneseq.u32  }
0x9: {  	v1 =	vor.u32 s6, v0  }
0xa: {  	s7 =	simm.s32 $0x0;
	s31 =	simm.s32 $0x2;
	v1 =	vmin.u32 v1, $0x3C  }
0xb: {  	[tilespmem:s7], [sflag:$0x2] =	stream.linear.gather [hbm4b:s3+s7], $0x80, $0x38;
	[tilespmem:$0x4080] =	vst v63  }
0xc: {  	_ =	swait.ge [sflag:s31], $0x80  }
0xd: {  	[sflag:s31] =	ssyncset.done $0x0  }
0xe: {  	[sflag:s31] =	ssyncadd.s32 $0xFFFFFF80  }
0xf: {  	v1 =	vld.idx.msk [tilespmem:v1+s7+$0x0], $0xffff;
	_ =	sdelay $0x4  }
0x10: {  	v2 =	vshll.u32 v1, $0x2  }
0x11: {  	v1 =	vand.u32 $0x7, v1;
	v2 =	vand.u32 $0xFFFFFFE0, v2  }
0x12: {  	v3 =	vshrl.u32 v0, $0x3;
	v1 =	vor.u32 v1, v2;
	v2 =	vand.u32 $0x7, v0  }
0x13: {  	v3 =	vmul.u32 $0x8, v3;
	v2 =	vperm.xlane v1, v2;
	_ =	sdelay $0x1  }
0x14: {  	v2 =	vadd.s32 v3, v2  }
0x15: {  	v4 =	vor.u32 $0x8, v0  }
0x16: {  	v1 =	vperm.xlane v1, v4;
	_ =	sdelay $0x1  }
0x17: {  	vm0 =	vmmov $0xffff;
	s3 =	simm.s32 $0x80;
	v1 =	vadd.s32 v3, v1  }
0x18: {  	[tilespmem:s3], [sflag:$0x1] =	stream.indirect_vreg.gather [hbm4b:s4+s7], $0x80, v2, vm0, $0xb8;
	[tilespmem:$0x4080] =	vst v63  }
0x19: {  	s8 =	sadd.s32 $0x100, s4;
	s5 =	simm.s32 $0x880;
	v3 =	vor.u32 $0x10, v0  }
0x1a: {  	v3 =	vadd.s32 s6, v3;
	[tilespmem:s5], [sflag:$0x1] =	stream.indirect_vreg.gather [hbm4b:s8+s7], $0x80, v2, vm0, $0xb8;
	v2 =	vmov s6;
	[tilespmem:$0x4080] =	vst v63  }
.Ltmp1:
0x1b: {  	s6 =	simm.s32 $0x1080;
	vm1 =	veq.s32 v2, v0;
	v0 =	vmin.u32 v3, $0x4C;
	(pc) =	sbr.rel .LBB2_4-.Ltmp1, $4  }
0x1c: {  	[tilespmem:s6], [sflag:$0x1] =	stream.indirect_vreg.gather [hbm4b:s4+s7], $0x80, v1, vm0, $0xb8;
	v0 =	vsel vm1, $0x0, v0;
	[tilespmem:$0x4080] =	vst v63  }
0x1d: {  	s4 =	simm.s32 $0x1880;
	v2 =	vshll.u32 v0, $0x2  }
0x1e: {  	v0 =	vand.u32 $0x7, v0;
	[tilespmem:s4], [sflag:$0x1] =	stream.indirect_vreg.gather [hbm4b:s8+s7], $0x80, v1, vm0, $0xb8;
	v1 =	vand.u32 $0x7FFFFFE0, v2;
	[tilespmem:$0x4080] =	vst v63  }
0x1f: {  	s7 =	simm.s32 $0x1;
	v0 =	vor.u32 v0, v1  }
.LBB2_2:
0x20: {  	p0 =	sne.s32 s1, $0x4  }
.Ltmp2:
0x21: {  	_ = 	snop;
	(pc) =	sbr.rel @p0 .LBB2_5-.Ltmp2, $1  }
0x22: {  	_ =	sdelay $0x3  }
0x23: {  	v0 =	vimm.s32 $0x7654321  }
0x24: {  	v0 =	vunpack.c.l.s4.s8 v0;
	_ =	sdelay $0x1  }
0x25: {  	v1 =	vimm.s32 $0x20232221;
	v0 =	vunpack.c.0.s8.s32 v0  }
0x26: {  	vm0 =	vcmask $0x1B00;
	v2 =	vimm.s32 $0x24272625;
	v1 =	vunpack.c.0.s8.s32 v1  }
0x27: {  	s4 =	simm.s32 $0x0;
	s3 =	simm.s32 $0x2080;
	vm14 =	vcmask $0x2B1C;
	s6 =	simm.s32 $0x3080;
	v2 =	vunpack.c.0.s8.s32 v2;
	v0 =	vnsel vm0, $0x40, v0  }
0x28: {  	vm15 =	vcmask $0x3B2C;
	[tilespmem:s3], [sflag:$0x2] =	stream.linear.gather [hbm4b:s5+s4], $0x2000, $0x38;
	v0 =	vsel vm14, v1, v0;
	[tilespmem:$0x4080] =	vst v63  }
0x29: {  	s7 =	simm.s32 $0x2;
	s4 =	simm.s32 $0x3880;
	s5 =	simm.s32 $0x2880;
	v0 =	vsel vm15, v2, v0  }
.LBB2_4:
0x2a: {  	v1 =	vlaneseq.u32  }
0x2b: {  	v2 =	vand.u32 $0x7, v1;
	v3 =	vshrl.u32 v1, $0x3  }
0x2c: {  	v2 =	vperm.xlane v0, v2;
	v3 =	vmul.u32 $0x8, v3;
	_ =	sdelay $0x1  }
0x2d: {  	v2 =	vadd.s32 v3, v2  }
0x2e: {  	v1 =	vor.u32 $0x8, v1  }
0x2f: {  	_ =	swait.ge [sflag:s7], $0x2000;
	v63 =	vperm.xlane v0, v1  }
0x30: {  	[sflag:s7] =	ssyncset.done $0x0  }
0x31: {  	vm0 =	vmmov $0xffff;
	s29 =	simm.s32 $0x0;
	[sflag:s7] =	ssyncadd.s32 $0xFFFFE000;
	v0 =	vadd.s32 v3, v63  }
0x32: {  	[hbm4b:s2+s29] =	stream.indirect_vreg.scatter [tilespmem:s3], [sflag:$0x1], $0x80, v2, vm0, $0xb8;
	[tilespmem:$0x4080] =	vst v63  }
0x33: {  	s30 =	sadd.s32 $0x100, s2  }
0x34: {  	[hbm4b:s30+s29] =	stream.indirect_vreg.scatter [tilespmem:s5], [sflag:$0x1], $0x80, v2, vm0, $0xb8;
	[tilespmem:$0x4080] =	vst v63  }
0x35: {  	_ = 	snop  }
0x36: {  	[hbm4b:s2+s29] =	stream.indirect_vreg.scatter [tilespmem:s6], [sflag:$0x1], $0x80, v0, vm0, $0xb8;
	[tilespmem:$0x4080] =	vst v63  }
0x37: {  	s31 =	simm.s32 $0x1  }
0x38: {  	[hbm4b:s30+s29] =	stream.indirect_vreg.scatter [tilespmem:s4], [sflag:$0x1], $0x80, v0, vm0, $0xb8;
	[tilespmem:$0x4080] =	vst v63  }
0x39: {  	_ =	swait.ge [sflag:s31], $0x2000  }
0x3a: {  	[sflag:s31] =	ssyncset.done $0x0  }
0x3b: {  	[sflag:s31] =	ssyncadd.s32 $0xFFFFE000  }
.LBB2_5:
0x3c: {  	_ =	sfence.sel $0x180000  }
0x3d: {  	[bflag:$0x0] =	sbarrier.arrive $0xFFFF  }
0x3e: {  	p0 =	sne.s32 s1, $0x0;
	_ =	strace $0x90000047  }
0x3f: {  	s0 =	sadd.s32 @!p0 $0x100000, s0;
	[bflag:$0x2] =	sbarrier.arrive $0xFFFF  }
0x40: {  	[sflag:s0] =	ssyncadd.tile.s32 @!p0 $0x1;
	_ =	shalt  }
.Lfunc_end2:
_tile_overlayer_lowered:
.L_overlay_start_2:
0x41: {  	(tag) =	ssettag $0x2  }
0x42: {  	s0 =	rddreg [dreg:$0x0];
	s2 =	stileid.u32  }
0x43: {  	s1 =	rddreg [dreg:$0x1];
	p0 =	sne.s32 s2, $0x0  }
0x44: {  	s3 =	rddreg [dreg:$0x2];
	[bflag:$0x3] =	sbarrier.arrive $0xFFFF;
	s2 =	simm.s32 @!p0 $0x1C02  }
0x45: {  	[timem:s3], [sflag:s2] =	dma.local @!p0 [hbm:s0], s1  }
0x46: {  	s0 =	simm.s32 @!p0 $0x2  }
0x47: {  	_ =	swait.ge @!p0 [sflag:s0], s1  }
0x48: {  	s1 =	ssub.s32 @!p0 $0x0, s1;
	[sflag:s0] =	ssyncset.done @!p0 $0x0  }
0x49: {  	[sflag:s0] =	ssyncadd.s32 @!p0 s1  }
0x4a: {  	[bflag:$0x3] =	sbarrier.arrive $0xFFFF  }
0x4b: {  	_ =	shalt  }

</sc_bundles>
